<compile_context>
chip_gen: v7x
topology: tpu7x:2x2x1
jax: 0.10.2.dev20260603
libtpu: 0.0.44.dev20260713+nightly
codegen_flags: <defaults>
</compile_context>

<pallas_src>
import functools

import jax
import jax.numpy as jnp
from jax import lax
from jax.experimental import pallas as pl
from jax.experimental.pallas import tpu as pltpu
from jax.experimental.pallas import tpu_sc as plsc

_B = 4096
_D = 768
_H = 512


def _make_sc_gather(b):
    info = plsc.get_sparse_core_info()
    nc, ns = info.num_cores, info.num_subcores
    nw = nc * ns
    b_per_w = b // nw
    mesh = plsc.VectorSubcoreMesh(core_axis_name="c", subcore_axis_name="s")

    @functools.partial(
        pl.kernel,
        mesh=mesh,
        out_type=[
            jax.ShapeDtypeStruct((b, _D), jnp.float32),
            jax.ShapeDtypeStruct((b, _D), jnp.float32),
        ],
        scratch_types=[
            pltpu.VMEM((b_per_w,), jnp.int32),
            pltpu.VMEM((b_per_w, _D), jnp.float32),
            pltpu.SemaphoreType.DMA,
        ],
    )
    def gather_k(item_idx, user_idx, item_table, user_table,
                 item_out, user_out, idx_v, rows_v, sem):
        wid = lax.axis_index("s") * nc + lax.axis_index("c")
        base = wid * b_per_w
        pltpu.sync_copy(item_idx.at[pl.ds(base, b_per_w)], idx_v)
        pltpu.async_copy(item_table.at[idx_v], rows_v, sem).wait()
        pltpu.sync_copy(rows_v, item_out.at[pl.ds(base, b_per_w)])
        pltpu.sync_copy(user_idx.at[pl.ds(base, b_per_w)], idx_v)
        pltpu.async_copy(user_table.at[idx_v], rows_v, sem).wait()
        pltpu.sync_copy(rows_v, user_out.at[pl.ds(base, b_per_w)])

    return gather_k


_sc_gather = _make_sc_gather(_B)


def _mlp_body(item_ref, user_ref, wb2_ref, bb2_ref, wa2_ref, ba2_ref,
              wl1_ref, bl1_ref, out_ref):
    item_b = item_ref[...].astype(jnp.bfloat16)
    user_b = user_ref[...].astype(jnp.bfloat16)
    ienc = jnp.maximum(
        jnp.dot(item_b, wb2_ref[...],
                preferred_element_type=jnp.float32) + bb2_ref[...], 0.0)
    uenc = jnp.maximum(
        jnp.dot(user_b, wa2_ref[...],
                preferred_element_type=jnp.float32) + ba2_ref[...], 0.0)
    prod = (ienc * uenc).astype(jnp.bfloat16)
    out = lax.dot_general(wl1_ref[...], prod, (((1,), (1,)), ((), ())),
                          preferred_element_type=jnp.float32)
    out_ref[...] = jnp.maximum(out + bl1_ref[...], 0.0)[None]


_BT = 1024


def _mlp(item_emb, user_emb, W_b2, b_b2, W_a2, b_a2, W_l1t, b_l1):
    b = item_emb.shape[0]
    g = b // _BT
    out = pl.pallas_call(
        _mlp_body,
        grid=(g,),
        in_specs=[
            pl.BlockSpec((_BT, _D), lambda i: (i, 0)),
            pl.BlockSpec((_BT, _D), lambda i: (i, 0)),
            pl.BlockSpec((_D, _H), lambda i: (0, 0)),
            pl.BlockSpec((1, _H), lambda i: (0, 0)),
            pl.BlockSpec((_D, _H), lambda i: (0, 0)),
            pl.BlockSpec((1, _H), lambda i: (0, 0)),
            pl.BlockSpec((1, _H), lambda i: (0, 0)),
            pl.BlockSpec((1, 1), lambda i: (0, 0)),
        ],
        out_specs=pl.BlockSpec((1, 1, _BT), lambda i: (i, 0, 0)),
        out_shape=jax.ShapeDtypeStruct((g, 1, _BT), jnp.float32),
    )(item_emb, user_emb, W_b2, b_b2, W_a2, b_a2, W_l1t, b_l1)
    return out.reshape(b, 1)


def kernel(item_vec, user_vec, item_table, user_table,
           W_b2, b_b2, W_a2, b_a2, W_l1, b_l1):
    item_idx = item_vec.astype(jnp.int32)
    user_idx = user_vec.astype(jnp.int32)
    wb2 = W_b2.astype(jnp.bfloat16)
    wa2 = W_a2.astype(jnp.bfloat16)
    wl1t = W_l1.reshape(1, _H).astype(jnp.bfloat16)
    bb2 = b_b2.reshape(1, _H)
    ba2 = b_a2.reshape(1, _H)
    bl1 = b_l1.reshape(1, 1)
    item_emb, user_emb = _sc_gather(item_idx, user_idx,
                                    item_table, user_table)
    return _mlp(item_emb, user_emb, wb2, bb2, wa2, ba2, wl1t, bl1)

# --- scband reference (transcript-rebuilt; emitter-appended) ---
"""Pipeline reference for scband-mf-51814485458951 (READ-ONLY COPY).

The authoritative reference and input builder live on the scoring server;
editing this copy changes nothing except your own understanding.
"""

import jax, jax.numpy as jnp
import numpy as np

VOCAB_ITEMS = 100000
VOCAB_USERS = 100000
BATCH = 4096
D_EMB = 768
D_HID = 512


def setup_inputs(seed: int = 0) -> dict:
    key = jax.random.key(seed)
    ks = jax.random.split(key, 10)
    item_vec = jax.random.randint(ks[0], (BATCH,), 0, VOCAB_ITEMS, dtype=jnp.int64 if jax.config.jax_enable_x64 else jnp.int32)
    user_vec = jax.random.randint(ks[1], (BATCH,), 0, VOCAB_USERS, dtype=jnp.int64 if jax.config.jax_enable_x64 else jnp.int32)
    item_table = jax.random.normal(ks[2], (VOCAB_ITEMS, D_EMB), dtype=jnp.float32) * 0.02
    user_table = jax.random.normal(ks[3], (VOCAB_USERS, D_EMB), dtype=jnp.float32) * 0.02
    W_b2 = jax.random.normal(ks[4], (D_EMB, D_HID), dtype=jnp.float32) * (1.0 / np.sqrt(D_EMB))
    b_b2 = jnp.zeros((D_HID,), dtype=jnp.float32)
    W_a2 = jax.random.normal(ks[5], (D_EMB, D_HID), dtype=jnp.float32) * (1.0 / np.sqrt(D_EMB))
    b_a2 = jnp.zeros((D_HID,), dtype=jnp.float32)
    W_l1 = jax.random.normal(ks[6], (D_HID, 1), dtype=jnp.float32) * (1.0 / np.sqrt(D_HID))
    b_l1 = jnp.zeros((1,), dtype=jnp.float32)
    return {
        "item_vec": item_vec,
        "user_vec": user_vec,
        "item_table": item_table,
        "user_table": user_table,
        "W_b2": W_b2,
        "b_b2": b_b2,
        "W_a2": W_a2,
        "b_a2": b_a2,
        "W_l1": W_l1,
        "b_l1": b_l1,
    }


def reference(item_vec, user_vec, item_table, user_table, W_b2, b_b2, W_a2, b_a2, W_l1, b_l1):
    # encode_item: embedding gather -> linear -> relu
    item_emb = jnp.take(item_table, item_vec, axis=0)
    item_enc = jax.nn.relu(item_emb @ W_b2 + b_b2)
    # encode_user: embedding gather -> linear -> relu
    user_emb = jnp.take(user_table, user_vec, axis=0)
    user_enc = jax.nn.relu(user_emb @ W_a2 + b_a2)
    # elementwise product -> linear -> relu
    out = jax.nn.relu((user_enc * item_enc) @ W_l1 + b_l1)
    return out

if __name__ == "__main__":
    import jax
    _d = setup_inputs()
    print(jax.jit(kernel)(*tuple(_d.values())))

</pallas_src>

<mosaic_0001>
#map = affine_map<(d0, d1) -> (0)>
#map1 = affine_map<(d0, d1) -> (0, 0)>
module attributes {stable_mosaic.version = 14 : i64} {
  func.func @gather_k(%arg0: i32, %arg1: i32, %arg2: memref<4096xi32, #tpu.memory_space<hbm>>, %arg3: memref<4096xi32, #tpu.memory_space<hbm>>, %arg4: memref<100000x768xf32, #tpu.memory_space<hbm>>, %arg5: memref<100000x768xf32, #tpu.memory_space<hbm>>, %arg6: memref<4096x768xf32, #tpu.memory_space<hbm>>, %arg7: memref<4096x768xf32, #tpu.memory_space<hbm>>, %arg8: memref<128xi32, #tpu.memory_space<vmem>>, %arg9: memref<128x768xf32, #tpu.memory_space<vmem>>, %arg10: memref<!tpu.dma_semaphore, #tpu.memory_space<semaphore_mem>>) attributes {dimension_semantics = [#tpu.dimension_semantics<core_parallel>, #tpu.dimension_semantics<subcore_parallel>], iteration_bounds = array<i64: 2, 16>, scalar_prefetch = 0 : i64, scratch_operands = 3 : i64, tpu.core_type = #tpu.core_type<sc_vector_subcore>, window_params = [{transform_indices = #map}, {transform_indices = #map}, {transform_indices = #map1}, {transform_indices = #map1}, {transform_indices = #map1}, {transform_indices = #map1}]} {
    %mul3A = arith.constant 2 : i32
    %mul3A_0 = arith.muli %arg1, %mul3A : i32
    %add3A = arith.addi %mul3A_0, %arg0 : i32
    %mul3A_1 = arith.constant 128 : i32
    %mul3A_2 = arith.muli %add3A, %mul3A_1 : i32
    "tpu.region"() ({
      %run_scoped3A = tpu.sem_alloc : memref<!tpu.dma_semaphore, #tpu.memory_space<semaphore_mem>>
      %dma_start3A_13 = tpu.memref_slice %arg2[%mul3A_2] : memref<4096xi32, #tpu.memory_space<hbm>> -> memref<128xi32, #tpu.memory_space<hbm>>
      %dma_start3A_14 = tpu.memref_slice %arg2[%mul3A_2] : memref<4096xi32, #tpu.memory_space<hbm>> -> memref<128xi32, #tpu.memory_space<hbm>>
      tpu.enqueue_dma source(%dma_start3A_14 : memref<128xi32, #tpu.memory_space<hbm>>) target(%arg8 : memref<128xi32, #tpu.memory_space<vmem>>) target_semaphore(%run_scoped3A : memref<!tpu.dma_semaphore, #tpu.memory_space<semaphore_mem>>)
      %dma_wait3A_15 = tpu.memref_slice %arg2[%mul3A_2] : memref<4096xi32, #tpu.memory_space<hbm>> -> memref<128xi32, #tpu.memory_space<hbm>>
      %dma_wait3A_16 = tpu.memref_slice %arg2[%mul3A_2] : memref<4096xi32, #tpu.memory_space<hbm>> -> memref<128xi32, #tpu.memory_space<hbm>>
      tpu.wait_dma2 semaphore(%run_scoped3A : memref<!tpu.dma_semaphore, #tpu.memory_space<semaphore_mem>>) src(%dma_wait3A_16 : memref<128xi32, #tpu.memory_space<hbm>>) dst(%arg8 : memref<128xi32, #tpu.memory_space<vmem>>)
      tpu.yield
    }) : () -> ()
    %dma_start3A = arith.constant 0 : i32
    %dma_start3A_3 = arith.constant 0 : i32
    %dma_start3A_4 = tpu.memref_slice %arg4[%dma_start3A, %dma_start3A_3] : memref<100000x768xf32, #tpu.memory_space<hbm>> -> memref<100000x768xf32, #tpu.memory_space<hbm>>
    tpu.enqueue_indirect_dma source(%dma_start3A_4 : memref<100000x768xf32, #tpu.memory_space<hbm>>) target(%arg9 : memref<128x768xf32, #tpu.memory_space<vmem>>) offsets(%arg8 : memref<128xi32, #tpu.memory_space<vmem>>) semaphore(%arg10 : memref<!tpu.dma_semaphore, #tpu.memory_space<semaphore_mem>>)
    %dma_wait3A = arith.constant 0 : i32
    %dma_wait3A_5 = arith.constant 0 : i32
    %dma_wait3A_6 = tpu.memref_slice %arg4[%dma_wait3A, %dma_wait3A_5] : memref<100000x768xf32, #tpu.memory_space<hbm>> -> memref<100000x768xf32, #tpu.memory_space<hbm>>
    tpu.wait_indirect_dma semaphore(%arg10 : memref<!tpu.dma_semaphore, #tpu.memory_space<semaphore_mem>>) src(%dma_wait3A_6 : memref<100000x768xf32, #tpu.memory_space<hbm>>) dst(%arg9 : memref<128x768xf32, #tpu.memory_space<vmem>>)
    "tpu.region"() ({
      %run_scoped3A = tpu.sem_alloc : memref<!tpu.dma_semaphore, #tpu.memory_space<semaphore_mem>>
      %dma_start3A_13 = arith.constant 0 : i32
      %dma_start3A_14 = tpu.memref_slice %arg6[%mul3A_2, %dma_start3A_13] : memref<4096x768xf32, #tpu.memory_space<hbm>> -> memref<128x768xf32, #tpu.memory_space<hbm>>
      %dma_start3A_15 = arith.constant 0 : i32
      %dma_start3A_16 = tpu.memref_slice %arg6[%mul3A_2, %dma_start3A_15] : memref<4096x768xf32, #tpu.memory_space<hbm>> -> memref<128x768xf32, #tpu.memory_space<hbm>>
      tpu.enqueue_dma source(%arg9 : memref<128x768xf32, #tpu.memory_space<vmem>>) target(%dma_start3A_16 : memref<128x768xf32, #tpu.memory_space<hbm>>) target_semaphore(%run_scoped3A : memref<!tpu.dma_semaphore, #tpu.memory_space<semaphore_mem>>)
      %dma_wait3A_17 = arith.constant 0 : i32
      %dma_wait3A_18 = tpu.memref_slice %arg6[%mul3A_2, %dma_wait3A_17] : memref<4096x768xf32, #tpu.memory_space<hbm>> -> memref<128x768xf32, #tpu.memory_space<hbm>>
      %dma_wait3A_19 = arith.constant 0 : i32
      %dma_wait3A_20 = tpu.memref_slice %arg6[%mul3A_2, %dma_wait3A_19] : memref<4096x768xf32, #tpu.memory_space<hbm>> -> memref<128x768xf32, #tpu.memory_space<hbm>>
      tpu.wait_dma2 semaphore(%run_scoped3A : memref<!tpu.dma_semaphore, #tpu.memory_space<semaphore_mem>>) src(%arg9 : memref<128x768xf32, #tpu.memory_space<vmem>>) dst(%dma_wait3A_20 : memref<128x768xf32, #tpu.memory_space<hbm>>)
      tpu.yield
    }) : () -> ()
    "tpu.region"() ({
      %run_scoped3A = tpu.sem_alloc : memref<!tpu.dma_semaphore, #tpu.memory_space<semaphore_mem>>
      %dma_start3A_13 = tpu.memref_slice %arg3[%mul3A_2] : memref<4096xi32, #tpu.memory_space<hbm>> -> memref<128xi32, #tpu.memory_space<hbm>>
      %dma_start3A_14 = tpu.memref_slice %arg3[%mul3A_2] : memref<4096xi32, #tpu.memory_space<hbm>> -> memref<128xi32, #tpu.memory_space<hbm>>
      tpu.enqueue_dma source(%dma_start3A_14 : memref<128xi32, #tpu.memory_space<hbm>>) target(%arg8 : memref<128xi32, #tpu.memory_space<vmem>>) target_semaphore(%run_scoped3A : memref<!tpu.dma_semaphore, #tpu.memory_space<semaphore_mem>>)
      %dma_wait3A_15 = tpu.memref_slice %arg3[%mul3A_2] : memref<4096xi32, #tpu.memory_space<hbm>> -> memref<128xi32, #tpu.memory_space<hbm>>
      %dma_wait3A_16 = tpu.memref_slice %arg3[%mul3A_2] : memref<4096xi32, #tpu.memory_space<hbm>> -> memref<128xi32, #tpu.memory_space<hbm>>
      tpu.wait_dma2 semaphore(%run_scoped3A : memref<!tpu.dma_semaphore, #tpu.memory_space<semaphore_mem>>) src(%dma_wait3A_16 : memref<128xi32, #tpu.memory_space<hbm>>) dst(%arg8 : memref<128xi32, #tpu.memory_space<vmem>>)
      tpu.yield
    }) : () -> ()
    %dma_start3A_7 = arith.constant 0 : i32
    %dma_start3A_8 = arith.constant 0 : i32
    %dma_start3A_9 = tpu.memref_slice %arg5[%dma_start3A_7, %dma_start3A_8] : memref<100000x768xf32, #tpu.memory_space<hbm>> -> memref<100000x768xf32, #tpu.memory_space<hbm>>
    tpu.enqueue_indirect_dma source(%dma_start3A_9 : memref<100000x768xf32, #tpu.memory_space<hbm>>) target(%arg9 : memref<128x768xf32, #tpu.memory_space<vmem>>) offsets(%arg8 : memref<128xi32, #tpu.memory_space<vmem>>) semaphore(%arg10 : memref<!tpu.dma_semaphore, #tpu.memory_space<semaphore_mem>>)
    %dma_wait3A_10 = arith.constant 0 : i32
    %dma_wait3A_11 = arith.constant 0 : i32
    %dma_wait3A_12 = tpu.memref_slice %arg5[%dma_wait3A_10, %dma_wait3A_11] : memref<100000x768xf32, #tpu.memory_space<hbm>> -> memref<100000x768xf32, #tpu.memory_space<hbm>>
    tpu.wait_indirect_dma semaphore(%arg10 : memref<!tpu.dma_semaphore, #tpu.memory_space<semaphore_mem>>) src(%dma_wait3A_12 : memref<100000x768xf32, #tpu.memory_space<hbm>>) dst(%arg9 : memref<128x768xf32, #tpu.memory_space<vmem>>)
    "tpu.region"() ({
      %run_scoped3A = tpu.sem_alloc : memref<!tpu.dma_semaphore, #tpu.memory_space<semaphore_mem>>
      %dma_start3A_13 = arith.constant 0 : i32
      %dma_start3A_14 = tpu.memref_slice %arg7[%mul3A_2, %dma_start3A_13] : memref<4096x768xf32, #tpu.memory_space<hbm>> -> memref<128x768xf32, #tpu.memory_space<hbm>>
      %dma_start3A_15 = arith.constant 0 : i32
      %dma_start3A_16 = tpu.memref_slice %arg7[%mul3A_2, %dma_start3A_15] : memref<4096x768xf32, #tpu.memory_space<hbm>> -> memref<128x768xf32, #tpu.memory_space<hbm>>
      tpu.enqueue_dma source(%arg9 : memref<128x768xf32, #tpu.memory_space<vmem>>) target(%dma_start3A_16 : memref<128x768xf32, #tpu.memory_space<hbm>>) target_semaphore(%run_scoped3A : memref<!tpu.dma_semaphore, #tpu.memory_space<semaphore_mem>>)
      %dma_wait3A_17 = arith.constant 0 : i32
      %dma_wait3A_18 = tpu.memref_slice %arg7[%mul3A_2, %dma_wait3A_17] : memref<4096x768xf32, #tpu.memory_space<hbm>> -> memref<128x768xf32, #tpu.memory_space<hbm>>
      %dma_wait3A_19 = arith.constant 0 : i32
      %dma_wait3A_20 = tpu.memref_slice %arg7[%mul3A_2, %dma_wait3A_19] : memref<4096x768xf32, #tpu.memory_space<hbm>> -> memref<128x768xf32, #tpu.memory_space<hbm>>
      tpu.wait_dma2 semaphore(%run_scoped3A : memref<!tpu.dma_semaphore, #tpu.memory_space<semaphore_mem>>) src(%arg9 : memref<128x768xf32, #tpu.memory_space<vmem>>) dst(%dma_wait3A_20 : memref<128x768xf32, #tpu.memory_space<hbm>>)
      tpu.yield
    }) : () -> ()
    return
  }
}

module attributes {stable_mosaic.version = 14 : i64} {
  func.func @_mlp_body(%arg0: i32, %arg1: memref<1024x768xf32, #tpu.memory_space<vmem>>, %arg2: memref<1024x768xf32, #tpu.memory_space<vmem>>, %arg3: memref<768x512xbf16, #tpu.memory_space<vmem>>, %arg4: memref<1x512xf32, #tpu.memory_space<vmem>>, %arg5: memref<768x512xbf16, #tpu.memory_space<vmem>>, %arg6: memref<1x512xf32, #tpu.memory_space<vmem>>, %arg7: memref<1x512xbf16, #tpu.memory_space<vmem>>, %arg8: memref<1x1xf32, #tpu.memory_space<vmem>>, %arg9: memref<1x1x1024xf32, #tpu.memory_space<vmem>>) attributes {dimension_semantics = [#tpu.dimension_semantics<arbitrary>], iteration_bounds = array<i64: 4>, scalar_prefetch = 0 : i64, scratch_operands = 0 : i64, tpu.core_type = #tpu.core_type<tc>, window_params = [{transform_indices = @transform_0, window_bounds = array<i64: 1024, 768>}, {transform_indices = @transform_1, window_bounds = array<i64: 1024, 768>}, {pipeline_mode = #tpu.pipeline_mode<synchronous>, transform_indices = @transform_2, window_bounds = array<i64: 768, 512>}, {pipeline_mode = #tpu.pipeline_mode<synchronous>, transform_indices = @transform_3, window_bounds = array<i64: 1, 512>}, {pipeline_mode = #tpu.pipeline_mode<synchronous>, transform_indices = @transform_4, window_bounds = array<i64: 768, 512>}, {pipeline_mode = #tpu.pipeline_mode<synchronous>, transform_indices = @transform_5, window_bounds = array<i64: 1, 512>}, {pipeline_mode = #tpu.pipeline_mode<synchronous>, transform_indices = @transform_6, window_bounds = array<i64: 1, 512>}, {pipeline_mode = #tpu.pipeline_mode<synchronous>, transform_indices = @transform_7, window_bounds = array<i64: 1, 1>}, {transform_indices = @transform_8, window_bounds = array<i64: 1, 1, 1024>}]} {
    %get3A = arith.constant 0 : index
    %get3A_0 = arith.constant 0 : index
    %get3A_1 = vector.load %arg1[%get3A, %get3A_0] : memref<1024x768xf32, #tpu.memory_space<vmem>>, vector<1024x768xf32>
    %convert_element_type3A = arith.truncf %get3A_1 : vector<1024x768xf32> to vector<1024x768xbf16>
    %get3A_2 = arith.constant 0 : index
    %get3A_3 = arith.constant 0 : index
    %get3A_4 = vector.load %arg2[%get3A_2, %get3A_3] : memref<1024x768xf32, #tpu.memory_space<vmem>>, vector<1024x768xf32>
    %convert_element_type3A_5 = arith.truncf %get3A_4 : vector<1024x768xf32> to vector<1024x768xbf16>
    %get3A_6 = arith.constant 0 : index
    %get3A_7 = arith.constant 0 : index
    %get3A_8 = vector.load %arg3[%get3A_6, %get3A_7] : memref<768x512xbf16, #tpu.memory_space<vmem>>, vector<768x512xbf16>
    %dot_general3A = arith.constant dense<0.000000e+00> : vector<1024x512xf32>
    %dot_general3A_9 = tpu.matmul %convert_element_type3A, %get3A_8, %dot_general3A {dimension_numbers = #tpu.dot_dimension_numbers<[1], [0], [0], [1], [0, 0, 1, 1], [], []>, transpose_lhs_hint = false} : vector<1024x768xbf16>, vector<768x512xbf16>, vector<1024x512xf32> -> vector<1024x512xf32>
    %get3A_10 = arith.constant 0 : index
    %get3A_11 = arith.constant 0 : index
    %get3A_12 = vector.load %arg4[%get3A_10, %get3A_11] : memref<1x512xf32, #tpu.memory_space<vmem>>, vector<1x512xf32>
    %add3A = vector.broadcast %get3A_12 : vector<1x512xf32> to vector<1024x512xf32>
    %add3A_13 = arith.addf %dot_general3A_9, %add3A : vector<1024x512xf32>
    %max3A = arith.constant 0.000000e+00 : f32
    %max3A_14 = vector.broadcast %max3A : f32 to vector<1024x512xf32>
    %max3A_15 = arith.maximumf %add3A_13, %max3A_14 : vector<1024x512xf32>
    %get3A_16 = arith.constant 0 : index
    %get3A_17 = arith.constant 0 : index
    %get3A_18 = vector.load %arg5[%get3A_16, %get3A_17] : memref<768x512xbf16, #tpu.memory_space<vmem>>, vector<768x512xbf16>
    %dot_general3A_19 = arith.constant dense<0.000000e+00> : vector<1024x512xf32>
    %dot_general3A_20 = tpu.matmul %convert_element_type3A_5, %get3A_18, %dot_general3A_19 {dimension_numbers = #tpu.dot_dimension_numbers<[1], [0], [0], [1], [0, 0, 1, 1], [], []>, transpose_lhs_hint = false} : vector<1024x768xbf16>, vector<768x512xbf16>, vector<1024x512xf32> -> vector<1024x512xf32>
    %get3A_21 = arith.constant 0 : index
    %get3A_22 = arith.constant 0 : index
    %get3A_23 = vector.load %arg6[%get3A_21, %get3A_22] : memref<1x512xf32, #tpu.memory_space<vmem>>, vector<1x512xf32>
    %add3A_24 = vector.broadcast %get3A_23 : vector<1x512xf32> to vector<1024x512xf32>
    %add3A_25 = arith.addf %dot_general3A_20, %add3A_24 : vector<1024x512xf32>
    %max3A_26 = arith.constant 0.000000e+00 : f32
    %max3A_27 = vector.broadcast %max3A_26 : f32 to vector<1024x512xf32>
    %max3A_28 = arith.maximumf %add3A_25, %max3A_27 : vector<1024x512xf32>
    %mul3A = arith.mulf %max3A_15, %max3A_28 : vector<1024x512xf32>
    %convert_element_type3A_29 = arith.truncf %mul3A : vector<1024x512xf32> to vector<1024x512xbf16>
    %get3A_30 = arith.constant 0 : index
    %get3A_31 = arith.constant 0 : index
    %get3A_32 = vector.load %arg7[%get3A_30, %get3A_31] : memref<1x512xbf16, #tpu.memory_space<vmem>>, vector<1x512xbf16>
    %dot_general3A_33 = arith.constant dense<0.000000e+00> : vector<1x1024xf32>
    %dot_general3A_34 = tpu.matmul %get3A_32, %convert_element_type3A_29, %dot_general3A_33 {dimension_numbers = #tpu.dot_dimension_numbers<[1], [1], [0], [0], [0, 0, 1, 0], [], []>, transpose_lhs_hint = false} : vector<1x512xbf16>, vector<1024x512xbf16>, vector<1x1024xf32> -> vector<1x1024xf32>
    %get3A_35 = arith.constant 0 : index
    %get3A_36 = arith.constant 0 : index
    %get3A_37 = vector.load %arg8[%get3A_35, %get3A_36] : memref<1x1xf32, #tpu.memory_space<vmem>>, vector<1x1xf32>
    %add3A_38 = vector.broadcast %get3A_37 : vector<1x1xf32> to vector<1x1024xf32>
    %add3A_39 = arith.addf %dot_general3A_34, %add3A_38 : vector<1x1024xf32>
    %max3A_40 = arith.constant 0.000000e+00 : f32
    %max3A_41 = vector.broadcast %max3A_40 : f32 to vector<1x1024xf32>
    %max3A_42 = arith.maximumf %add3A_39, %max3A_41 : vector<1x1024xf32>
    %broadcast_in_dim3A = vector.shape_cast %max3A_42 : vector<1x1024xf32> to vector<1x1x1024xf32>
    %swap3A = arith.constant 0 : index
    %swap3A_43 = arith.constant 0 : index
    %swap3A_44 = arith.constant 0 : index
    %swap3A_45 = vector.load %arg9[%swap3A, %swap3A_43, %swap3A_44] : memref<1x1x1024xf32, #tpu.memory_space<vmem>>, vector<1x1x1024xf32>
    tpu.vector_store %arg9[%swap3A, %swap3A_43, %swap3A_44], %broadcast_in_dim3A {strides = array<i32>} : memref<1x1x1024xf32, #tpu.memory_space<vmem>>, vector<1x1x1024xf32>,
    return
  }
  func.func @transform_0(%arg0: i32) -> (i32, i32) {
    %c0_i32 = arith.constant 0 : i32
    %c0_i32_0 = arith.constant 0 : i32
    return %arg0, %c0_i32 : i32, i32
  }
  func.func @transform_1(%arg0: i32) -> (i32, i32) {
    %c0_i32 = arith.constant 0 : i32
    %c0_i32_0 = arith.constant 0 : i32
    return %arg0, %c0_i32 : i32, i32
  }
  func.func @transform_2(%arg0: i32) -> (i32, i32) {
    %c0_i32 = arith.constant 0 : i32
    %c0_i32_0 = arith.constant 0 : i32
    %c0_i32_1 = arith.constant 0 : i32
    return %c0_i32, %c0_i32_0 : i32, i32
  }
  func.func @transform_3(%arg0: i32) -> (i32, i32) {
    %c0_i32 = arith.constant 0 : i32
    %c0_i32_0 = arith.constant 0 : i32
    %c0_i32_1 = arith.constant 0 : i32
    return %c0_i32, %c0_i32_0 : i32, i32
  }
  func.func @transform_4(%arg0: i32) -> (i32, i32) {
    %c0_i32 = arith.constant 0 : i32
    %c0_i32_0 = arith.constant 0 : i32
    %c0_i32_1 = arith.constant 0 : i32
    return %c0_i32, %c0_i32_0 : i32, i32
  }
  func.func @transform_5(%arg0: i32) -> (i32, i32) {
    %c0_i32 = arith.constant 0 : i32
    %c0_i32_0 = arith.constant 0 : i32
    %c0_i32_1 = arith.constant 0 : i32
    return %c0_i32, %c0_i32_0 : i32, i32
  }
  func.func @transform_6(%arg0: i32) -> (i32, i32) {
    %c0_i32 = arith.constant 0 : i32
    %c0_i32_0 = arith.constant 0 : i32
    %c0_i32_1 = arith.constant 0 : i32
    return %c0_i32, %c0_i32_0 : i32, i32
  }
  func.func @transform_7(%arg0: i32) -> (i32, i32) {
    %c0_i32 = arith.constant 0 : i32
    %c0_i32_0 = arith.constant 0 : i32
    %c0_i32_1 = arith.constant 0 : i32
    return %c0_i32, %c0_i32_0 : i32, i32
  }
  func.func @transform_8(%arg0: i32) -> (i32, i32, i32) {
    %c0_i32 = arith.constant 0 : i32
    %c0_i32_0 = arith.constant 0 : i32
    %c0_i32_1 = arith.constant 0 : i32
    return %arg0, %c0_i32, %c0_i32_0 : i32, i32, i32
  }
}

</mosaic_0001>

<sc_bundles>
// kernel: kernel.4.cloned.1.call-start
scs
__scs_entry_jumppad:
0x0: {  	(pc) =	sbr.rel $0x88, $3  }
0x1: {  	(tag) =	ssettag $0x0;
	lr =	simm.s32 $0x1  }
0x2: {  	[smem:$0x3F97] =	sst lr;
	_ =	strace $0xD0000000  }
0x3: {  	_ = 	snop  }
0x4: {  	_ = 	snop  }
0x5: {  	_ = 	snop  }
0x6: {  	_ = 	snop  }
0x7: {  	_ = 	snop  }
__scs_overlays_trampoline_lowered:
0x8: {  	[smem:$0x3FA6] =	sst s0  }
0x9: {  	[smem:$0x3FA7] =	sst s1  }
0xa: {  	[smem:$0x3FA8] =	sst s2  }
0xb: {  	[smem:$0x3FA9] =	sst s3  }
0xc: {  	[smem:$0x3FAA] =	sst s4  }
0xd: {  	[smem:$0x3FAB] =	sst s5  }
0xe: {  	[smem:$0x3FAC] =	sst s6  }
0xf: {  	[smem:$0x3FAD] =	sst s7  }
0x10: {  	[smem:$0x3FAE] =	sst s8  }
0x11: {  	[smem:$0x3FAF] =	sst s9;
	s0 =	simm.s32 @!p0 $0x0  }
0x12: {  	s1 =	sld [smem:$0x3F95];
	s0 =	simm.s32 @p0 $0x1  }
0x13: {  	[smem:$0x3FB0] =	sst s0;
	s0 =	simm.s32 @!p1 $0x0  }
0x14: {  	s2 =	sld [smem:$0x3F94];
	s0 =	simm.s32 @p1 $0x1  }
0x15: {  	[smem:$0x3FB1] =	sst s0;
	s0 =	simm.s32 @!p2 $0x0  }
0x16: {  	s3 =	sld [smem:$0x3FDB];
	s0 =	simm.s32 @p2 $0x1  }
0x17: {  	s4 =	simm.s32 $0x1BF5;
	[smem:$0x3FB3] =	sst s0  }
0x18: {  	s0 =	sld [smem:$0x3F96];
	_ =	swait.ge [sflag:s4], $0x0  }
0x19: {  	s7 =	sld [smem:$0x3F97]  }
0x1a: {  	s8 =	sadd.s32 $0xFFFFE003, lr  }
0x1b: {  	s9 =	sadd.s32 $0xFFFFFEF7, lr;
	s5 =	simm.s32 $0xFFFFFFFF;
	p2 =	slt.u32 s8, $0xFFFFF086  }
0x1c: {  	p1 =	slt.u32 s9, $0xF7A;
	s5 =	simm.s32 @!p2 $0x0  }
0x1d: {  	s5 =	simm.s32 @p1 $0x1;
	p0 =	seq.s32 s7, s2  }
0x1e: {  	s7 =	smul.u32 @!p0 $0xF7A, s2;
	p2 =	seq.s32 @!p0 s5, $0x0  }
0x1f: {  	s9 =	smul.u32 $0xF7A, s1;
	s8 =	simm.s32 @!p0 $0x1BF5;
	p2 =	por !p2, p0  }
0x20: {  	[sflag:s8] =	ssyncset.s32 @!p0 $0xFFFFF086;
	s6 =	sadd.s32 @!p0 s3, s7;
	s7 =	simm.s32 @!p0 $0x108  }
0x21: {  	s3 =	sadd.s32 s3, s9;
	s6 =	sadd.s32 @!p0 $0x88, s6;
	s7 =	simm.s32 @p2 $0x1082  }
0x22: {  	[simem:s7], [sflag:s8] =	dma.local @!p0 [hbm:s6], $0xF7A  }
0x23: {  	s9 =	sor.u32 $0xD0000000, s2;
	s6 =	simm.s32 $0x108;
	_ =	swait.ge @!p0 [sflag:s8], $0x0  }
0x24: {  	s3 =	sadd.s32 $0x88, s3;
	s6 =	simm.s32 @!p1 $0x1082;
	[sflag:s4] =	ssyncset.s32 $0xFFFFF086  }
0x25: {  	[simem:s6], [sflag:s4] =	dma.local [hbm:s3], $0xF7A  }
0x26: {  	[smem:$0x3F97] =	sst s1;
	(tag) =	ssettag s2;
	_ =	strace s9  }
0x27: {  	s1 =	sld [smem:$0x3FA7]  }
0x28: {  	s2 =	sld [smem:$0x3FA8]  }
0x29: {  	s4 =	sld [smem:$0x3FAA]  }
0x2a: {  	p0 =	seq.s32 s5, $0x0;
	s5 =	sld [smem:$0x3FAB]  }
0x2b: {  	s6 =	sld [smem:$0x3FAC]  }
0x2c: {  	s7 =	sld [smem:$0x3FAD]  }
0x2d: {  	s3 =	simm.s32 $0x108;
	s8 =	sld [smem:$0x3FAE]  }
0x2e: {  	s3 =	simm.s32 @!p0 $0x1082;
	s9 =	sld [smem:$0x3FAF]  }
0x2f: {  	lr =	sadd.s32 s0, s3;
	s0 =	sld [smem:$0x3FA6]  }
0x30: {  	s3 =	sld [smem:$0x3FA9]  }
0x31: {  	[smem:$0x3FB2] =	sst s10  }
0x32: {  	s10 =	sld [smem:$0x3FB0];
	_ =	sdelay $0x3  }
0x33: {  	p0 =	seq.s32 s10, $0x1;
	s10 =	sld [smem:$0x3FB2];
	_ =	sdelay $0x3  }
0x34: {  	[smem:$0x3FB2] =	sst s10  }
0x35: {  	s10 =	sld [smem:$0x3FB1];
	_ =	sdelay $0x3  }
0x36: {  	p1 =	seq.s32 s10, $0x1;
	s10 =	sld [smem:$0x3FB2];
	_ =	sdelay $0x3  }
0x37: {  	[smem:$0x3FB2] =	sst s10  }
0x38: {  	s10 =	sld [smem:$0x3FB3]  }
0x39: {  	_ = 	snop;
	(pc) =	sbr.ind lr, $3  }
0x3a: {  	_ = 	snop  }
0x3b: {  	_ = 	snop  }
0x3c: {  	p2 =	seq.s32 s10, $0x1;
	s10 =	sld [smem:$0x3FB2]  }
0x3d: {  	_ =	shalt  }
0x3e: {  	_ =	shalt  }
0x3f: {  	_ =	shalt  }
0x40: {  	_ =	shalt  }
0x41: {  	_ =	shalt  }
0x42: {  	_ =	shalt  }
0x43: {  	_ =	shalt  }
0x44: {  	_ =	shalt  }
0x45: {  	_ =	shalt  }
0x46: {  	_ =	shalt  }
0x47: {  	_ =	shalt  }
0x48: {  	_ =	shalt  }
0x49: {  	_ =	shalt  }
0x4a: {  	_ =	shalt  }
0x4b: {  	_ =	shalt  }
0x4c: {  	_ =	shalt  }
0x4d: {  	_ =	shalt  }
0x4e: {  	_ =	shalt  }
0x4f: {  	_ =	shalt  }
0x50: {  	_ =	shalt  }
0x51: {  	_ =	shalt  }
0x52: {  	_ =	shalt  }
0x53: {  	_ =	shalt  }
0x54: {  	_ =	shalt  }
0x55: {  	_ =	shalt  }
0x56: {  	_ =	shalt  }
0x57: {  	_ =	shalt  }
0x58: {  	_ =	shalt  }
0x59: {  	_ =	shalt  }
0x5a: {  	_ =	shalt  }
0x5b: {  	_ =	shalt  }
0x5c: {  	_ =	shalt  }
0x5d: {  	_ =	shalt  }
0x5e: {  	_ =	shalt  }
0x5f: {  	_ =	shalt  }
0x60: {  	_ =	shalt  }
0x61: {  	_ =	shalt  }
0x62: {  	_ =	shalt  }
0x63: {  	_ =	shalt  }
0x64: {  	_ =	shalt  }
0x65: {  	_ =	shalt  }
0x66: {  	_ =	shalt  }
0x67: {  	_ =	shalt  }
0x68: {  	_ =	shalt  }
0x69: {  	_ =	shalt  }
0x6a: {  	_ =	shalt  }
0x6b: {  	_ =	shalt  }
0x6c: {  	_ =	shalt  }
0x6d: {  	_ =	shalt  }
0x6e: {  	_ =	shalt  }
0x6f: {  	_ =	shalt  }
0x70: {  	_ =	shalt  }
0x71: {  	_ =	shalt  }
0x72: {  	_ =	shalt  }
0x73: {  	_ =	shalt  }
0x74: {  	_ =	shalt  }
0x75: {  	_ =	shalt  }
0x76: {  	_ =	shalt  }
0x77: {  	_ =	shalt  }
0x78: {  	_ =	shalt  }
0x79: {  	_ =	shalt  }
0x7a: {  	_ =	shalt  }
0x7b: {  	_ =	shalt  }
0x7c: {  	_ =	shalt  }
0x7d: {  	_ =	shalt  }
0x7e: {  	_ =	shalt  }
0x7f: {  	_ =	shalt  }
0x80: {  	_ =	shalt  }
0x81: {  	_ =	shalt  }
0x82: {  	_ =	shalt  }
0x83: {  	_ =	shalt  }
0x84: {  	_ =	shalt  }
0x85: {  	_ =	shalt  }
0x86: {  	_ =	shalt  }
0x87: {  	_ =	shalt  }
.Lfunc_end0:
.L_simem_size_0:
called_computation_lowered:
.L_overlay_start_0:
0x88: {  	s2 =	sld [smem:$0x3FD9]  }
0x89: {  	s3 =	sld [smem:$0x3FFE];
	_ =	sdelay $0x1  }
0x8a: {  	s1 =	srdreg.scid  }
0x8b: {  	s0 =	sand.u32 $0x1, s1  }
0x8c: {  	s17 =	sshll.u32 s0, $0xA;
	s2 =	sadd.s32 s3, s2  }
0x8d: {  	s2 =	sadd.s32 s2, s17  }
0x8e: {  	[smem:$0x3FBE] =	sst s2  }
0x8f: {  	_ = 	snop  }
0x90: {  	s2 =	sld [smem:$0x3FC9]  }
0x91: {  	s18 =	sld [smem:$0x3FC8]  }
0x92: {  	s4 =	sld [smem:$0x3FC7]  }
0x93: {  	s5 =	sld [smem:$0x3FC6];
	(tm) =	ssettm $0x1  }
0x94: {  	s6 =	sld [smem:$0x3FFB];
	_ =	sdelay $0x3  }
0x95: {  	_ =	strace s6  }
0x96: {  	s6 =	sld [smem:$0x3FFC];
	_ =	sdelay $0x3  }
0x97: {  	_ =	strace s6  }
0x98: {  	s6 =	sld [smem:$0x3FFD];
	_ =	sdelay $0x3  }
0x99: {  	_ =	strace s6  }
0x9a: {  	_ =	strace $0x8FFFFFFF  }
0x9b: {  	s19 =	sld [smem:$0x3FDB];
	_ =	sdelay $0x1  }
0x9c: {  	s7 =	simm.s32 $_scs_section_size  }
0x9d: {  	s8 =	simm.s32 $_size__tile_overlayer_lowered;
	s9 =	simm.s32 $_tile_overlayer_lowered  }
0x9e: {  	s22 =	simm.s32 $0x1BFF;
	s21 =	sshll.u32 s9, $0x1;
	s6 =	sadd.s32 s7, s19  }
0x9f: {  	s10 =	simm.s32 $0x0;
	s20 =	sshll.u32 s8, $0x1;
	s8 =	sadd.s32 s21, s6  }
0xa0: {  	[timem:s10], [sflag:s22] =	dma.local [hbm:s8], s20  }
0xa1: {  	_ =	swait.ge [sflag:s22], s20  }
0xa2: {  	s7 =	ssub.s32 $0x0, s20;
	[sflag:s22] =	ssyncset.done $0x0  }
0xa3: {  	[sflag:s22] =	ssyncadd.s32 s7;
	_ =	sdelay $0x1  }
0xa4: {  	s23 =	simm.s32 $0x1B8B  }
0xa5: {  	_ =	swait.ge [sflag:s23], $0x1  }
0xa6: {  	[sflag:s23] =	ssyncset.done $0x0  }
0xa7: {  	s25 =	simm.s32 $0x1B8E;
	s24 =	sld [smem:$0x3FFE];
	[sflag:s23] =	ssyncadd.s32 $0xFFFFFFFF  }
0xa8: {  	s26 =	simm.s32 $execute0_lowered;
	[smem:$0x3FD2] =	sst s25  }
0xa9: {  	s8 =	sshll.u32 s26, $0x1;
	_ =	strace $0x80000046;
	[dreg:$0x1] =	wrdreg $0xFFFFFFFF  }
0xaa: {  	s28 =	simm.s32 $_size_execute0_lowered;
	s6 =	sadd.s32 s6, s8;
	[dreg:$0x0] =	wrdreg $0x0  }
0xab: {  	s8 =	sshll.u32 s28, $0x1;
	[dreg:$0x2] =	wrdreg s6  }
0xac: {  	[dreg:$0x3] =	wrdreg s8  }
0xad: {  	[dreg:$0x4] =	wrdreg $0xC0  }
0xae: {  	_ =	task [dreg:s10], $0x5FFFF  }
0xaf: {  	[dreg:$0x1] =	wrdreg $0xFFFFFFFF  }
0xb0: {  	[dreg:$0x0] =	wrdreg $0x60  }
0xb1: {  	[dreg:$0x2] =	wrdreg s2  }
0xb2: {  	[dreg:$0x3] =	wrdreg s18  }
0xb3: {  	[dreg:$0x4] =	wrdreg s4  }
0xb4: {  	[dreg:$0x5] =	wrdreg s5  }
0xb5: {  	[dreg:$0x6] =	wrdreg s24  }
0xb6: {  	[dreg:$0x7] =	wrdreg $0x9  }
0xb7: {  	_ =	task.clear_ibuf [dreg:s10], $0x8FFFF;
	_ =	strace $0x90000046  }
0xb8: {  	s29 =	simm.s32 $0x9;
	_ =	strace $0x80000048  }
0xb9: {  	_ =	swait.ge [sflag:s29], $0x1  }
0xba: {  	[sflag:s29] =	ssyncadd.s32 $0xFFFFFFFF  }
0xbb: {  	_ =	strace $0x90000048  }
0xbc: {  	_ =	sfence  }
0xbd: {  	s30 =	sld [smem:$0x0];
	_ =	sdelay $0x2  }
0xbe: {  	s31 =	sshll.u32 s1, $0xD;
	s1 =	sshrl.u32 s1, $0x2  }
0xbf: {  	s3 =	sand.u32 $0x4000, s31;
	s1 =	sadd.s32 s1, s30  }
0xc0: {  	s0 =	sor.u32 s3, s0;
	s1 =	sshll.u32 s1, $0x11  }
0xc1: {  	s0 =	sor.u32 s1, s0  }
0xc2: {  	s0 =	sadd.s32 $0x8F2B, s0  }
0xc3: {  	[sflag:s0] =	ssyncadd.remote.s32 $0x1  }
0xc4: {  	_ =	sfence.sel $0xFFFF  }
0xc5: {  	[dreg:$0x0] =	wrdreg $0xFFFFFFFF;
	(pc) =	sbr.abs _section_cstart, $3  }
0xc6: {  	[dreg:$0x1] =	wrdreg $0xFFFFFFFF  }
0xc7: {  	_ =	task.clear_ibuf [dreg:s10], $0x2FFFF;
	_ =	strace $0x9FFFFFFF  }
0xc8: {  	(tm) =	ssettm $0x7FFFFFFF  }
0xc9: {  	_ =	shalt  }
tec
execute0_lowered:
.L_overlay_start_1:
0x0: {  	(tag) =	ssettag $0x1  }
0x1: {  	s0 =	rddreg [dreg:$0x0]  }
0x2: {  	s2 =	rddreg [dreg:$0x1]  }
0x3: {  	s1 =	rddreg [dreg:$0x2]  }
0x4: {  	s4 =	srdreg.scid;
	s3 =	rddreg [dreg:$0x3]  }
0x5: {  	s7 =	stileid.u32;
	s6 =	rddreg [dreg:$0x4];
	s10 =	simm.s32 $0x2  }
0x6: {  	s17 =	simm.s32 $0x1;
	s19 =	simm.s32 $0x880;
	s20 =	simm.s32 $0x1080  }
0x7: {  	s21 =	simm.s32 $0x1880;
	s22 =	simm.s32 $0x2080;
	s28 =	simm.s32 $0x4880  }
0x8: {  	s29 =	simm.s32 $0x5080;
	s30 =	simm.s32 $0x5880;
	s31 =	simm.s32 $0x6080  }
0x9: {  	s12 =	simm.s32 $0x7880;
	s13 =	simm.s32 $0x8080;
	s14 =	simm.s32 $0x8880  }
0xa: {  	s15 =	simm.s32 $0x9080;
	s16 =	simm.s32 $0x9880;
	s11 =	simm.s32 $0xA080  }
0xb: {  	s5 =	sand.u32 $0x1, s4;
	s7 =	sshll.u32 s7, $0x5;
	s4 =	simm.s32 $0x0  }
0xc: {  	s8 =	sshll.u32 s5, $0x4;
	[smem:$0x7FF] =	sst s4;
	s5 =	ssub.s32 $0x2, s5  }
0xd: {  	s7 =	sor.u32 s8, s7;
	_ =	strace $0x80000047;
	s23 =	sshrl.u32 s5, $0x1  }
0xe: {  	s8 =	smul.u32 $0x300, s7;
	s0 =	sadd.s32 s0, s7;
	s9 =	ssub.s32 s5, s23  }
0xf: {  	s5 =	sadd.s32 $0x100, s1;
	s25 =	sadd.s32 s2, s7;
	s7 =	sadd.s32 $0x100, s3  }
0x10: {  	s23 =	simm.s32 $0x2880;
	s2 =	simm.s32 $0x6880;
	[dreg:$0x6] =	wrdreg s0  }
0x11: {  	[dreg:$0x8] =	wrdreg s25;
	s9 =	smax.u32 s9, $0x1;
	s8 =	sadd.s32 s8, s6  }
0x12: {  	v2 =	vlaneseq.u32;
	s25 =	simm.s32 $0x3880;
	s6 =	sadd.s32 $0x200, s1;
	s24 =	sadd.s32 $0x1400, s8  }
0x13: {  	vm0 =	vmmov $0xffff;
	v1 =	vshrl.u32 v2, $0x3;
	s26 =	sadd.s32 $0x61400, s8;
	s8 =	sadd.s32 $0x200, s3;
	[dreg:$0x7] =	wrdreg s24  }
0x14: {  	v0 =	vand.u32 $0x7, v2;
	v2 =	vor.u32 $0x8, v2;
	v1 =	vmul.u32 $0x8, v1;
	[dreg:$0x9] =	wrdreg s26;
	s24 =	simm.s32 $0x3080;
	s26 =	simm.s32 $0x4080  }
.LBB2_1:
0x15: {  	s18 =	rddreg [dreg:$0x6]  }
0x16: {  	[tilespmem:s4], [sflag:$0x2] =	stream.linear.gather [hbm4b:s18+s4], $0x80, $0x38;
	[tilespmem:$0x18080] =	vst v63  }
0x17: {  	_ =	swait.ge [sflag:s10], $0x80  }
0x18: {  	[sflag:s10] =	ssyncset.done $0x0  }
0x19: {  	[sflag:s10] =	ssyncadd.s32 $0xFFFFFF80  }
0x1a: {  	v3 =	vld [tilespmem:$0x0];
	_ =	sdelay $0x4  }
0x1b: {  	v4 =	vshrl.u32 v3, $0x3  }
0x1c: {  	v4 =	vmul.u32 $0x30, v4  }
0x1d: {  	v3 =	vand.u32 $0x7, v3  }
0x1e: {  	v3 =	vor.u32 v3, v4  }
0x1f: {  	v4 =	vperm.xlane v3, v0;
	_ =	sdelay $0x1  }
0x20: {  	v4 =	vadd.s32 v1, v4;
	_ =	sdelay $0x3  }
0x21: {  	s0 =	simm.s32 $0x80;
	v3 =	vperm.xlane v3, v2  }
0x22: {  	[tilespmem:s0], [sflag:$0x1] =	stream.indirect_vreg.gather [hbm4b:s1+s4], $0x80, v4, vm0, $0xb8;
	[tilespmem:$0x18080] =	vst v63  }
0x23: {  	v3 =	vadd.s32 v1, v3  }
0x24: {  	[tilespmem:s19], [sflag:$0x1] =	stream.indirect_vreg.gather [hbm4b:s5+s4], $0x80, v4, vm0, $0xb8;
	[tilespmem:$0x18080] =	vst v63  }
0x25: {  	_ = 	snop  }
0x26: {  	[tilespmem:s20], [sflag:$0x1] =	stream.indirect_vreg.gather [hbm4b:s6+s4], $0x80, v4, vm0, $0xb8;
	[tilespmem:$0x18080] =	vst v63  }
0x27: {  	_ = 	snop  }
0x28: {  	[tilespmem:s21], [sflag:$0x1] =	stream.indirect_vreg.gather [hbm4b:s1+s4], $0x80, v3, vm0, $0xb8;
	[tilespmem:$0x18080] =	vst v63  }
0x29: {  	_ = 	snop  }
0x2a: {  	[tilespmem:s22], [sflag:$0x1] =	stream.indirect_vreg.gather [hbm4b:s5+s4], $0x80, v3, vm0, $0xb8;
	[tilespmem:$0x18080] =	vst v63  }
0x2b: {  	_ = 	snop  }
0x2c: {  	[tilespmem:s23], [sflag:$0x1] =	stream.indirect_vreg.gather [hbm4b:s6+s4], $0x80, v3, vm0, $0xb8;
	[tilespmem:$0x18080] =	vst v63  }
0x2d: {  	v3 =	vld [tilespmem:$0x10];
	_ =	sdelay $0x4  }
0x2e: {  	v49 =	vshrl.u32 v3, $0x3  }
0x2f: {  	v4 =	vmul.u32 $0x30, v49  }
0x30: {  	v3 =	vand.u32 $0x7, v3  }
0x31: {  	v3 =	vor.u32 v3, v4  }
0x32: {  	v4 =	vperm.xlane v3, v0;
	_ =	sdelay $0x1  }
0x33: {  	v4 =	vadd.s32 v1, v4;
	_ =	sdelay $0x3  }
0x34: {  	v3 =	vperm.xlane v3, v2  }
0x35: {  	[tilespmem:s24], [sflag:$0x1] =	stream.indirect_vreg.gather [hbm4b:s1+s4], $0x80, v4, vm0, $0xb8;
	[tilespmem:$0x18080] =	vst v63  }
0x36: {  	v3 =	vadd.s32 v1, v3  }
0x37: {  	[tilespmem:s25], [sflag:$0x1] =	stream.indirect_vreg.gather [hbm4b:s5+s4], $0x80, v4, vm0, $0xb8;
	[tilespmem:$0x18080] =	vst v63  }
0x38: {  	_ = 	snop  }
0x39: {  	[tilespmem:s26], [sflag:$0x1] =	stream.indirect_vreg.gather [hbm4b:s6+s4], $0x80, v4, vm0, $0xb8;
	[tilespmem:$0x18080] =	vst v63  }
0x3a: {  	_ = 	snop  }
0x3b: {  	[tilespmem:s28], [sflag:$0x1] =	stream.indirect_vreg.gather [hbm4b:s1+s4], $0x80, v3, vm0, $0xb8;
	[tilespmem:$0x18080] =	vst v63  }
0x3c: {  	_ = 	snop  }
0x3d: {  	[tilespmem:s29], [sflag:$0x1] =	stream.indirect_vreg.gather [hbm4b:s5+s4], $0x80, v3, vm0, $0xb8;
	[tilespmem:$0x18080] =	vst v63  }
0x3e: {  	_ = 	snop  }
0x3f: {  	[tilespmem:s30], [sflag:$0x1] =	stream.indirect_vreg.gather [hbm4b:s6+s4], $0x80, v3, vm0, $0xb8;
	[tilespmem:$0x18080] =	vst v63  }
0x40: {  	v3 =	vld [tilespmem:$0x20];
	_ =	sdelay $0x4  }
0x41: {  	v50 =	vshrl.u32 v3, $0x3  }
0x42: {  	v4 =	vmul.u32 $0x30, v50  }
0x43: {  	v3 =	vand.u32 $0x7, v3  }
0x44: {  	v3 =	vor.u32 v3, v4  }
0x45: {  	v4 =	vperm.xlane v3, v0;
	_ =	sdelay $0x1  }
0x46: {  	v4 =	vadd.s32 v1, v4;
	_ =	sdelay $0x3  }
0x47: {  	v3 =	vperm.xlane v3, v2  }
0x48: {  	[tilespmem:s31], [sflag:$0x1] =	stream.indirect_vreg.gather [hbm4b:s1+s4], $0x80, v4, vm0, $0xb8;
	[tilespmem:$0x18080] =	vst v63  }
0x49: {  	v3 =	vadd.s32 v1, v3  }
0x4a: {  	[tilespmem:s2], [sflag:$0x1] =	stream.indirect_vreg.gather [hbm4b:s5+s4], $0x80, v4, vm0, $0xb8;
	[tilespmem:$0x18080] =	vst v63  }
0x4b: {  	s18 =	simm.s32 $0x7080  }
0x4c: {  	[tilespmem:s18], [sflag:$0x1] =	stream.indirect_vreg.gather [hbm4b:s6+s4], $0x80, v4, vm0, $0xb8;
	[tilespmem:$0x18080] =	vst v63  }
0x4d: {  	_ = 	snop  }
0x4e: {  	[tilespmem:s12], [sflag:$0x1] =	stream.indirect_vreg.gather [hbm4b:s1+s4], $0x80, v3, vm0, $0xb8;
	[tilespmem:$0x18080] =	vst v63  }
0x4f: {  	_ = 	snop  }
0x50: {  	[tilespmem:s13], [sflag:$0x1] =	stream.indirect_vreg.gather [hbm4b:s5+s4], $0x80, v3, vm0, $0xb8;
	[tilespmem:$0x18080] =	vst v63  }
0x51: {  	_ = 	snop  }
0x52: {  	[tilespmem:s14], [sflag:$0x1] =	stream.indirect_vreg.gather [hbm4b:s6+s4], $0x80, v3, vm0, $0xb8;
	[tilespmem:$0x18080] =	vst v63  }
0x53: {  	v3 =	vld [tilespmem:$0x30];
	_ =	sdelay $0x4  }
0x54: {  	v51 =	vshrl.u32 v3, $0x3  }
0x55: {  	v4 =	vmul.u32 $0x30, v51  }
0x56: {  	v3 =	vand.u32 $0x7, v3  }
0x57: {  	v3 =	vor.u32 v3, v4  }
0x58: {  	v4 =	vperm.xlane v3, v0;
	_ =	sdelay $0x1  }
0x59: {  	v4 =	vadd.s32 v1, v4;
	_ =	sdelay $0x3  }
0x5a: {  	v3 =	vperm.xlane v3, v2  }
0x5b: {  	[tilespmem:s15], [sflag:$0x1] =	stream.indirect_vreg.gather [hbm4b:s1+s4], $0x80, v4, vm0, $0xb8;
	[tilespmem:$0x18080] =	vst v63  }
0x5c: {  	v3 =	vadd.s32 v1, v3  }
0x5d: {  	[tilespmem:s16], [sflag:$0x1] =	stream.indirect_vreg.gather [hbm4b:s5+s4], $0x80, v4, vm0, $0xb8;
	[tilespmem:$0x18080] =	vst v63  }
0x5e: {  	_ = 	snop  }
0x5f: {  	[tilespmem:s11], [sflag:$0x1] =	stream.indirect_vreg.gather [hbm4b:s6+s4], $0x80, v4, vm0, $0xb8;
	[tilespmem:$0x18080] =	vst v63  }
0x60: {  	s18 =	simm.s32 $0xA880  }
0x61: {  	[tilespmem:s18], [sflag:$0x1] =	stream.indirect_vreg.gather [hbm4b:s1+s4], $0x80, v3, vm0, $0xb8;
	[tilespmem:$0x18080] =	vst v63  }
0x62: {  	s18 =	simm.s32 $0xB080  }
0x63: {  	[tilespmem:s18], [sflag:$0x1] =	stream.indirect_vreg.gather [hbm4b:s5+s4], $0x80, v3, vm0, $0xb8;
	[tilespmem:$0x18080] =	vst v63  }
0x64: {  	s18 =	simm.s32 $0xB880  }
0x65: {  	[tilespmem:s18], [sflag:$0x1] =	stream.indirect_vreg.gather [hbm4b:s6+s4], $0x80, v3, vm0, $0xb8;
	[tilespmem:$0x18080] =	vst v63  }
0x66: {  	v3 =	vld [tilespmem:$0x40];
	_ =	sdelay $0x4  }
0x67: {  	v52 =	vshrl.u32 v3, $0x3  }
0x68: {  	v4 =	vmul.u32 $0x30, v52  }
0x69: {  	v3 =	vand.u32 $0x7, v3  }
0x6a: {  	v3 =	vor.u32 v3, v4  }
0x6b: {  	v4 =	vperm.xlane v3, v0;
	_ =	sdelay $0x1  }
0x6c: {  	v4 =	vadd.s32 v1, v4;
	_ =	sdelay $0x3  }
0x6d: {  	s18 =	simm.s32 $0xC080;
	v3 =	vperm.xlane v3, v2  }
0x6e: {  	[tilespmem:s18], [sflag:$0x1] =	stream.indirect_vreg.gather [hbm4b:s1+s4], $0x80, v4, vm0, $0xb8;
	[tilespmem:$0x18080] =	vst v63  }
0x6f: {  	v3 =	vadd.s32 v1, v3;
	s18 =	simm.s32 $0xC880  }
0x70: {  	[tilespmem:s18], [sflag:$0x1] =	stream.indirect_vreg.gather [hbm4b:s5+s4], $0x80, v4, vm0, $0xb8;
	[tilespmem:$0x18080] =	vst v63  }
0x71: {  	s18 =	simm.s32 $0xD080  }
0x72: {  	[tilespmem:s18], [sflag:$0x1] =	stream.indirect_vreg.gather [hbm4b:s6+s4], $0x80, v4, vm0, $0xb8;
	[tilespmem:$0x18080] =	vst v63  }
0x73: {  	s18 =	simm.s32 $0xD880  }
0x74: {  	[tilespmem:s18], [sflag:$0x1] =	stream.indirect_vreg.gather [hbm4b:s1+s4], $0x80, v3, vm0, $0xb8;
	[tilespmem:$0x18080] =	vst v63  }
0x75: {  	s18 =	simm.s32 $0xE080  }
0x76: {  	[tilespmem:s18], [sflag:$0x1] =	stream.indirect_vreg.gather [hbm4b:s5+s4], $0x80, v3, vm0, $0xb8;
	[tilespmem:$0x18080] =	vst v63  }
0x77: {  	s18 =	simm.s32 $0xE880  }
0x78: {  	[tilespmem:s18], [sflag:$0x1] =	stream.indirect_vreg.gather [hbm4b:s6+s4], $0x80, v3, vm0, $0xb8;
	[tilespmem:$0x18080] =	vst v63  }
0x79: {  	v3 =	vld [tilespmem:$0x50];
	_ =	sdelay $0x4  }
0x7a: {  	v53 =	vshrl.u32 v3, $0x3  }
0x7b: {  	v4 =	vmul.u32 $0x30, v53  }
0x7c: {  	v3 =	vand.u32 $0x7, v3  }
0x7d: {  	v3 =	vor.u32 v3, v4  }
0x7e: {  	v4 =	vperm.xlane v3, v0;
	_ =	sdelay $0x1  }
0x7f: {  	v4 =	vadd.s32 v1, v4;
	_ =	sdelay $0x3  }
0x80: {  	s18 =	simm.s32 $0xF080;
	v3 =	vperm.xlane v3, v2  }
0x81: {  	[tilespmem:s18], [sflag:$0x1] =	stream.indirect_vreg.gather [hbm4b:s1+s4], $0x80, v4, vm0, $0xb8;
	[tilespmem:$0x18080] =	vst v63  }
0x82: {  	v3 =	vadd.s32 v1, v3;
	s18 =	simm.s32 $0xF880  }
0x83: {  	[tilespmem:s18], [sflag:$0x1] =	stream.indirect_vreg.gather [hbm4b:s5+s4], $0x80, v4, vm0, $0xb8;
	[tilespmem:$0x18080] =	vst v63  }
0x84: {  	s18 =	simm.s32 $0x10080  }
0x85: {  	[tilespmem:s18], [sflag:$0x1] =	stream.indirect_vreg.gather [hbm4b:s6+s4], $0x80, v4, vm0, $0xb8;
	[tilespmem:$0x18080] =	vst v63  }
0x86: {  	s18 =	simm.s32 $0x10880  }
0x87: {  	[tilespmem:s18], [sflag:$0x1] =	stream.indirect_vreg.gather [hbm4b:s1+s4], $0x80, v3, vm0, $0xb8;
	[tilespmem:$0x18080] =	vst v63  }
0x88: {  	s18 =	simm.s32 $0x11080  }
0x89: {  	[tilespmem:s18], [sflag:$0x1] =	stream.indirect_vreg.gather [hbm4b:s5+s4], $0x80, v3, vm0, $0xb8;
	[tilespmem:$0x18080] =	vst v63  }
0x8a: {  	s18 =	simm.s32 $0x11880  }
0x8b: {  	[tilespmem:s18], [sflag:$0x1] =	stream.indirect_vreg.gather [hbm4b:s6+s4], $0x80, v3, vm0, $0xb8;
	[tilespmem:$0x18080] =	vst v63  }
0x8c: {  	v3 =	vld [tilespmem:$0x60];
	_ =	sdelay $0x4  }
0x8d: {  	v54 =	vshrl.u32 v3, $0x3  }
0x8e: {  	v4 =	vmul.u32 $0x30, v54  }
0x8f: {  	v3 =	vand.u32 $0x7, v3  }
0x90: {  	v3 =	vor.u32 v3, v4  }
0x91: {  	v4 =	vperm.xlane v3, v0;
	_ =	sdelay $0x1  }
0x92: {  	v4 =	vadd.s32 v1, v4;
	_ =	sdelay $0x3  }
0x93: {  	s18 =	simm.s32 $0x12080;
	v3 =	vperm.xlane v3, v2  }
0x94: {  	[tilespmem:s18], [sflag:$0x1] =	stream.indirect_vreg.gather [hbm4b:s1+s4], $0x80, v4, vm0, $0xb8;
	[tilespmem:$0x18080] =	vst v63  }
0x95: {  	v3 =	vadd.s32 v1, v3;
	s18 =	simm.s32 $0x12880  }
0x96: {  	[tilespmem:s18], [sflag:$0x1] =	stream.indirect_vreg.gather [hbm4b:s5+s4], $0x80, v4, vm0, $0xb8;
	[tilespmem:$0x18080] =	vst v63  }
0x97: {  	s18 =	simm.s32 $0x13080  }
0x98: {  	[tilespmem:s18], [sflag:$0x1] =	stream.indirect_vreg.gather [hbm4b:s6+s4], $0x80, v4, vm0, $0xb8;
	[tilespmem:$0x18080] =	vst v63  }
0x99: {  	s18 =	simm.s32 $0x13880  }
0x9a: {  	[tilespmem:s18], [sflag:$0x1] =	stream.indirect_vreg.gather [hbm4b:s1+s4], $0x80, v3, vm0, $0xb8;
	[tilespmem:$0x18080] =	vst v63  }
0x9b: {  	s18 =	simm.s32 $0x14080  }
0x9c: {  	[tilespmem:s18], [sflag:$0x1] =	stream.indirect_vreg.gather [hbm4b:s5+s4], $0x80, v3, vm0, $0xb8;
	[tilespmem:$0x18080] =	vst v63  }
0x9d: {  	s18 =	simm.s32 $0x14880  }
0x9e: {  	[tilespmem:s18], [sflag:$0x1] =	stream.indirect_vreg.gather [hbm4b:s6+s4], $0x80, v3, vm0, $0xb8;
	[tilespmem:$0x18080] =	vst v63  }
0x9f: {  	v3 =	vld [tilespmem:$0x70];
	_ =	sdelay $0x4  }
0xa0: {  	v55 =	vshrl.u32 v3, $0x3  }
0xa1: {  	v4 =	vmul.u32 $0x30, v55  }
0xa2: {  	v3 =	vand.u32 $0x7, v3  }
0xa3: {  	v3 =	vor.u32 v3, v4  }
0xa4: {  	v4 =	vperm.xlane v3, v0;
	_ =	sdelay $0x1  }
0xa5: {  	v4 =	vadd.s32 v1, v4;
	_ =	sdelay $0x3  }
0xa6: {  	s18 =	simm.s32 $0x15080;
	v3 =	vperm.xlane v3, v2  }
0xa7: {  	[tilespmem:s18], [sflag:$0x1] =	stream.indirect_vreg.gather [hbm4b:s1+s4], $0x80, v4, vm0, $0xb8;
	[tilespmem:$0x18080] =	vst v63  }
0xa8: {  	v3 =	vadd.s32 v1, v3;
	s18 =	simm.s32 $0x15880  }
0xa9: {  	[tilespmem:s18], [sflag:$0x1] =	stream.indirect_vreg.gather [hbm4b:s5+s4], $0x80, v4, vm0, $0xb8;
	[tilespmem:$0x18080] =	vst v63  }
0xaa: {  	s18 =	simm.s32 $0x16080  }
0xab: {  	[tilespmem:s18], [sflag:$0x1] =	stream.indirect_vreg.gather [hbm4b:s6+s4], $0x80, v4, vm0, $0xb8;
	[tilespmem:$0x18080] =	vst v63  }
0xac: {  	s18 =	simm.s32 $0x16880  }
0xad: {  	[tilespmem:s18], [sflag:$0x1] =	stream.indirect_vreg.gather [hbm4b:s1+s4], $0x80, v3, vm0, $0xb8;
	[tilespmem:$0x18080] =	vst v63  }
0xae: {  	s18 =	simm.s32 $0x17080  }
0xaf: {  	[tilespmem:s18], [sflag:$0x1] =	stream.indirect_vreg.gather [hbm4b:s5+s4], $0x80, v3, vm0, $0xb8;
	[tilespmem:$0x18080] =	vst v63  }
0xb0: {  	s18 =	simm.s32 $0x17880  }
0xb1: {  	[tilespmem:s18], [sflag:$0x1] =	stream.indirect_vreg.gather [hbm4b:s6+s4], $0x80, v3, vm0, $0xb8;
	[tilespmem:$0x18080] =	vst v63  }
0xb2: {  	_ =	swait.ge [sflag:s17], $0x18000  }
0xb3: {  	[sflag:s17] =	ssyncset.done $0x0  }
0xb4: {  	s0 =	simm.s32 $0x80;
	s18 =	rddreg [dreg:$0x7];
	[sflag:s17] =	ssyncadd.s32 $0xFFFE8000  }
0xb5: {  	[hbm4b:s18+s4] =	stream.linear.scatter [tilespmem:s0], [sflag:$0x2], $0x18000, $0x38;
	[tilespmem:$0x18080] =	vst v63  }
0xb6: {  	_ =	swait.ge [sflag:s10], $0x18000  }
0xb7: {  	[sflag:s10] =	ssyncset.done $0x0  }
0xb8: {  	s18 =	rddreg [dreg:$0x8];
	[sflag:s10] =	ssyncadd.s32 $0xFFFE8000  }
0xb9: {  	[tilespmem:s4], [sflag:$0x2] =	stream.linear.gather [hbm4b:s18+s4], $0x80, $0x38;
	[tilespmem:$0x18080] =	vst v63  }
0xba: {  	_ =	swait.ge [sflag:s10], $0x80  }
0xbb: {  	[sflag:s10] =	ssyncset.done $0x0  }
0xbc: {  	[sflag:s10] =	ssyncadd.s32 $0xFFFFFF80  }
0xbd: {  	v3 =	vld [tilespmem:$0x0];
	_ =	sdelay $0x4  }
0xbe: {  	v56 =	vshrl.u32 v3, $0x3  }
0xbf: {  	v4 =	vmul.u32 $0x30, v56  }
0xc0: {  	v3 =	vand.u32 $0x7, v3  }
0xc1: {  	v3 =	vor.u32 v3, v4  }
0xc2: {  	v4 =	vperm.xlane v3, v0;
	_ =	sdelay $0x1  }
0xc3: {  	v4 =	vadd.s32 v1, v4;
	_ =	sdelay $0x3  }
0xc4: {  	v3 =	vperm.xlane v3, v2  }
0xc5: {  	[tilespmem:s0], [sflag:$0x1] =	stream.indirect_vreg.gather [hbm4b:s3+s4], $0x80, v4, vm0, $0xb8;
	[tilespmem:$0x18080] =	vst v63  }
0xc6: {  	v3 =	vadd.s32 v1, v3  }
0xc7: {  	[tilespmem:s19], [sflag:$0x1] =	stream.indirect_vreg.gather [hbm4b:s7+s4], $0x80, v4, vm0, $0xb8;
	[tilespmem:$0x18080] =	vst v63  }
0xc8: {  	_ = 	snop  }
0xc9: {  	[tilespmem:s20], [sflag:$0x1] =	stream.indirect_vreg.gather [hbm4b:s8+s4], $0x80, v4, vm0, $0xb8;
	[tilespmem:$0x18080] =	vst v63  }
0xca: {  	_ = 	snop  }
0xcb: {  	[tilespmem:s21], [sflag:$0x1] =	stream.indirect_vreg.gather [hbm4b:s3+s4], $0x80, v3, vm0, $0xb8;
	[tilespmem:$0x18080] =	vst v63  }
0xcc: {  	_ = 	snop  }
0xcd: {  	[tilespmem:s22], [sflag:$0x1] =	stream.indirect_vreg.gather [hbm4b:s7+s4], $0x80, v3, vm0, $0xb8;
	[tilespmem:$0x18080] =	vst v63  }
0xce: {  	_ = 	snop  }
0xcf: {  	[tilespmem:s23], [sflag:$0x1] =	stream.indirect_vreg.gather [hbm4b:s8+s4], $0x80, v3, vm0, $0xb8;
	[tilespmem:$0x18080] =	vst v63  }
0xd0: {  	v3 =	vld [tilespmem:$0x10];
	_ =	sdelay $0x4  }
0xd1: {  	v57 =	vshrl.u32 v3, $0x3  }
0xd2: {  	v4 =	vmul.u32 $0x30, v57  }
0xd3: {  	v3 =	vand.u32 $0x7, v3  }
0xd4: {  	v3 =	vor.u32 v3, v4  }
0xd5: {  	v4 =	vperm.xlane v3, v0;
	_ =	sdelay $0x1  }
0xd6: {  	v4 =	vadd.s32 v1, v4;
	_ =	sdelay $0x3  }
0xd7: {  	v3 =	vperm.xlane v3, v2  }
0xd8: {  	[tilespmem:s24], [sflag:$0x1] =	stream.indirect_vreg.gather [hbm4b:s3+s4], $0x80, v4, vm0, $0xb8;
	[tilespmem:$0x18080] =	vst v63  }
0xd9: {  	v3 =	vadd.s32 v1, v3  }
0xda: {  	[tilespmem:s25], [sflag:$0x1] =	stream.indirect_vreg.gather [hbm4b:s7+s4], $0x80, v4, vm0, $0xb8;
	[tilespmem:$0x18080] =	vst v63  }
0xdb: {  	_ = 	snop  }
0xdc: {  	[tilespmem:s26], [sflag:$0x1] =	stream.indirect_vreg.gather [hbm4b:s8+s4], $0x80, v4, vm0, $0xb8;
	[tilespmem:$0x18080] =	vst v63  }
0xdd: {  	_ = 	snop  }
0xde: {  	[tilespmem:s28], [sflag:$0x1] =	stream.indirect_vreg.gather [hbm4b:s3+s4], $0x80, v3, vm0, $0xb8;
	[tilespmem:$0x18080] =	vst v63  }
0xdf: {  	_ = 	snop  }
0xe0: {  	[tilespmem:s29], [sflag:$0x1] =	stream.indirect_vreg.gather [hbm4b:s7+s4], $0x80, v3, vm0, $0xb8;
	[tilespmem:$0x18080] =	vst v63  }
0xe1: {  	_ = 	snop  }
0xe2: {  	[tilespmem:s30], [sflag:$0x1] =	stream.indirect_vreg.gather [hbm4b:s8+s4], $0x80, v3, vm0, $0xb8;
	[tilespmem:$0x18080] =	vst v63  }
0xe3: {  	v3 =	vld [tilespmem:$0x20];
	_ =	sdelay $0x4  }
0xe4: {  	v58 =	vshrl.u32 v3, $0x3  }
0xe5: {  	v4 =	vmul.u32 $0x30, v58  }
0xe6: {  	v3 =	vand.u32 $0x7, v3  }
0xe7: {  	v3 =	vor.u32 v3, v4  }
0xe8: {  	v4 =	vperm.xlane v3, v0;
	_ =	sdelay $0x1  }
0xe9: {  	v4 =	vadd.s32 v1, v4;
	_ =	sdelay $0x3  }
0xea: {  	v3 =	vperm.xlane v3, v2  }
0xeb: {  	[tilespmem:s31], [sflag:$0x1] =	stream.indirect_vreg.gather [hbm4b:s3+s4], $0x80, v4, vm0, $0xb8;
	[tilespmem:$0x18080] =	vst v63  }
0xec: {  	v3 =	vadd.s32 v1, v3  }
0xed: {  	[tilespmem:s2], [sflag:$0x1] =	stream.indirect_vreg.gather [hbm4b:s7+s4], $0x80, v4, vm0, $0xb8;
	[tilespmem:$0x18080] =	vst v63  }
0xee: {  	s18 =	simm.s32 $0x7080  }
0xef: {  	[tilespmem:s18], [sflag:$0x1] =	stream.indirect_vreg.gather [hbm4b:s8+s4], $0x80, v4, vm0, $0xb8;
	[tilespmem:$0x18080] =	vst v63  }
0xf0: {  	_ = 	snop  }
0xf1: {  	[tilespmem:s12], [sflag:$0x1] =	stream.indirect_vreg.gather [hbm4b:s3+s4], $0x80, v3, vm0, $0xb8;
	[tilespmem:$0x18080] =	vst v63  }
0xf2: {  	_ = 	snop  }
0xf3: {  	[tilespmem:s13], [sflag:$0x1] =	stream.indirect_vreg.gather [hbm4b:s7+s4], $0x80, v3, vm0, $0xb8;
	[tilespmem:$0x18080] =	vst v63  }
0xf4: {  	_ = 	snop  }
0xf5: {  	[tilespmem:s14], [sflag:$0x1] =	stream.indirect_vreg.gather [hbm4b:s8+s4], $0x80, v3, vm0, $0xb8;
	[tilespmem:$0x18080] =	vst v63  }
0xf6: {  	v3 =	vld [tilespmem:$0x30];
	_ =	sdelay $0x4  }
0xf7: {  	v59 =	vshrl.u32 v3, $0x3  }
0xf8: {  	v4 =	vmul.u32 $0x30, v59  }
0xf9: {  	v3 =	vand.u32 $0x7, v3  }
0xfa: {  	v3 =	vor.u32 v3, v4  }
0xfb: {  	v4 =	vperm.xlane v3, v0;
	_ =	sdelay $0x1  }
0xfc: {  	v4 =	vadd.s32 v1, v4;
	_ =	sdelay $0x3  }
0xfd: {  	v3 =	vperm.xlane v3, v2  }
0xfe: {  	[tilespmem:s15], [sflag:$0x1] =	stream.indirect_vreg.gather [hbm4b:s3+s4], $0x80, v4, vm0, $0xb8;
	[tilespmem:$0x18080] =	vst v63  }
0xff: {  	v3 =	vadd.s32 v1, v3  }
0x100: {  	[tilespmem:s16], [sflag:$0x1] =	stream.indirect_vreg.gather [hbm4b:s7+s4], $0x80, v4, vm0, $0xb8;
	[tilespmem:$0x18080] =	vst v63  }
0x101: {  	_ = 	snop  }
0x102: {  	[tilespmem:s11], [sflag:$0x1] =	stream.indirect_vreg.gather [hbm4b:s8+s4], $0x80, v4, vm0, $0xb8;
	[tilespmem:$0x18080] =	vst v63  }
0x103: {  	s18 =	simm.s32 $0xA880  }
0x104: {  	[tilespmem:s18], [sflag:$0x1] =	stream.indirect_vreg.gather [hbm4b:s3+s4], $0x80, v3, vm0, $0xb8;
	[tilespmem:$0x18080] =	vst v63  }
0x105: {  	s18 =	simm.s32 $0xB080  }
0x106: {  	[tilespmem:s18], [sflag:$0x1] =	stream.indirect_vreg.gather [hbm4b:s7+s4], $0x80, v3, vm0, $0xb8;
	[tilespmem:$0x18080] =	vst v63  }
0x107: {  	s18 =	simm.s32 $0xB880  }
0x108: {  	[tilespmem:s18], [sflag:$0x1] =	stream.indirect_vreg.gather [hbm4b:s8+s4], $0x80, v3, vm0, $0xb8;
	[tilespmem:$0x18080] =	vst v63  }
0x109: {  	v3 =	vld [tilespmem:$0x40];
	_ =	sdelay $0x4  }
0x10a: {  	v60 =	vshrl.u32 v3, $0x3  }
0x10b: {  	v4 =	vmul.u32 $0x30, v60  }
0x10c: {  	v3 =	vand.u32 $0x7, v3  }
0x10d: {  	v3 =	vor.u32 v3, v4  }
0x10e: {  	v4 =	vperm.xlane v3, v0;
	_ =	sdelay $0x1  }
0x10f: {  	v4 =	vadd.s32 v1, v4;
	_ =	sdelay $0x3  }
0x110: {  	s18 =	simm.s32 $0xC080;
	v3 =	vperm.xlane v3, v2  }
0x111: {  	[tilespmem:s18], [sflag:$0x1] =	stream.indirect_vreg.gather [hbm4b:s3+s4], $0x80, v4, vm0, $0xb8;
	[tilespmem:$0x18080] =	vst v63  }
0x112: {  	v3 =	vadd.s32 v1, v3;
	s18 =	simm.s32 $0xC880  }
0x113: {  	[tilespmem:s18], [sflag:$0x1] =	stream.indirect_vreg.gather [hbm4b:s7+s4], $0x80, v4, vm0, $0xb8;
	[tilespmem:$0x18080] =	vst v63  }
0x114: {  	s18 =	simm.s32 $0xD080  }
0x115: {  	[tilespmem:s18], [sflag:$0x1] =	stream.indirect_vreg.gather [hbm4b:s8+s4], $0x80, v4, vm0, $0xb8;
	[tilespmem:$0x18080] =	vst v63  }
0x116: {  	s18 =	simm.s32 $0xD880  }
0x117: {  	[tilespmem:s18], [sflag:$0x1] =	stream.indirect_vreg.gather [hbm4b:s3+s4], $0x80, v3, vm0, $0xb8;
	[tilespmem:$0x18080] =	vst v63  }
0x118: {  	s18 =	simm.s32 $0xE080  }
0x119: {  	[tilespmem:s18], [sflag:$0x1] =	stream.indirect_vreg.gather [hbm4b:s7+s4], $0x80, v3, vm0, $0xb8;
	[tilespmem:$0x18080] =	vst v63  }
0x11a: {  	s18 =	simm.s32 $0xE880  }
0x11b: {  	[tilespmem:s18], [sflag:$0x1] =	stream.indirect_vreg.gather [hbm4b:s8+s4], $0x80, v3, vm0, $0xb8;
	[tilespmem:$0x18080] =	vst v63  }
0x11c: {  	v3 =	vld [tilespmem:$0x50];
	_ =	sdelay $0x4  }
0x11d: {  	v61 =	vshrl.u32 v3, $0x3  }
0x11e: {  	v4 =	vmul.u32 $0x30, v61  }
0x11f: {  	v3 =	vand.u32 $0x7, v3  }
0x120: {  	v3 =	vor.u32 v3, v4  }
0x121: {  	v4 =	vperm.xlane v3, v0;
	_ =	sdelay $0x1  }
0x122: {  	v4 =	vadd.s32 v1, v4;
	_ =	sdelay $0x3  }
0x123: {  	s18 =	simm.s32 $0xF080;
	v3 =	vperm.xlane v3, v2  }
0x124: {  	[tilespmem:s18], [sflag:$0x1] =	stream.indirect_vreg.gather [hbm4b:s3+s4], $0x80, v4, vm0, $0xb8;
	[tilespmem:$0x18080] =	vst v63  }
0x125: {  	v3 =	vadd.s32 v1, v3;
	s18 =	simm.s32 $0xF880  }
0x126: {  	[tilespmem:s18], [sflag:$0x1] =	stream.indirect_vreg.gather [hbm4b:s7+s4], $0x80, v4, vm0, $0xb8;
	[tilespmem:$0x18080] =	vst v63  }
0x127: {  	s18 =	simm.s32 $0x10080  }
0x128: {  	[tilespmem:s18], [sflag:$0x1] =	stream.indirect_vreg.gather [hbm4b:s8+s4], $0x80, v4, vm0, $0xb8;
	[tilespmem:$0x18080] =	vst v63  }
0x129: {  	s18 =	simm.s32 $0x10880  }
0x12a: {  	[tilespmem:s18], [sflag:$0x1] =	stream.indirect_vreg.gather [hbm4b:s3+s4], $0x80, v3, vm0, $0xb8;
	[tilespmem:$0x18080] =	vst v63  }
0x12b: {  	s18 =	simm.s32 $0x11080  }
0x12c: {  	[tilespmem:s18], [sflag:$0x1] =	stream.indirect_vreg.gather [hbm4b:s7+s4], $0x80, v3, vm0, $0xb8;
	[tilespmem:$0x18080] =	vst v63  }
0x12d: {  	s18 =	simm.s32 $0x11880  }
0x12e: {  	[tilespmem:s18], [sflag:$0x1] =	stream.indirect_vreg.gather [hbm4b:s8+s4], $0x80, v3, vm0, $0xb8;
	[tilespmem:$0x18080] =	vst v63  }
0x12f: {  	v3 =	vld [tilespmem:$0x60];
	_ =	sdelay $0x4  }
0x130: {  	v62 =	vshrl.u32 v3, $0x3  }
0x131: {  	v4 =	vmul.u32 $0x30, v62  }
0x132: {  	v3 =	vand.u32 $0x7, v3  }
0x133: {  	v3 =	vor.u32 v3, v4  }
0x134: {  	v4 =	vperm.xlane v3, v0;
	_ =	sdelay $0x1  }
0x135: {  	v4 =	vadd.s32 v1, v4;
	_ =	sdelay $0x3  }
0x136: {  	s18 =	simm.s32 $0x12080;
	v3 =	vperm.xlane v3, v2  }
0x137: {  	[tilespmem:s18], [sflag:$0x1] =	stream.indirect_vreg.gather [hbm4b:s3+s4], $0x80, v4, vm0, $0xb8;
	[tilespmem:$0x18080] =	vst v63  }
0x138: {  	v3 =	vadd.s32 v1, v3;
	s18 =	simm.s32 $0x12880  }
0x139: {  	[tilespmem:s18], [sflag:$0x1] =	stream.indirect_vreg.gather [hbm4b:s7+s4], $0x80, v4, vm0, $0xb8;
	[tilespmem:$0x18080] =	vst v63  }
0x13a: {  	s18 =	simm.s32 $0x13080  }
0x13b: {  	[tilespmem:s18], [sflag:$0x1] =	stream.indirect_vreg.gather [hbm4b:s8+s4], $0x80, v4, vm0, $0xb8;
	[tilespmem:$0x18080] =	vst v63  }
0x13c: {  	s18 =	simm.s32 $0x13880  }
0x13d: {  	[tilespmem:s18], [sflag:$0x1] =	stream.indirect_vreg.gather [hbm4b:s3+s4], $0x80, v3, vm0, $0xb8;
	[tilespmem:$0x18080] =	vst v63  }
0x13e: {  	s18 =	simm.s32 $0x14080  }
0x13f: {  	[tilespmem:s18], [sflag:$0x1] =	stream.indirect_vreg.gather [hbm4b:s7+s4], $0x80, v3, vm0, $0xb8;
	[tilespmem:$0x18080] =	vst v63  }
0x140: {  	s18 =	simm.s32 $0x14880  }
0x141: {  	[tilespmem:s18], [sflag:$0x1] =	stream.indirect_vreg.gather [hbm4b:s8+s4], $0x80, v3, vm0, $0xb8;
	[tilespmem:$0x18080] =	vst v63  }
0x142: {  	v3 =	vld [tilespmem:$0x70];
	_ =	sdelay $0x4  }
0x143: {  	v63 =	vshrl.u32 v3, $0x3  }
0x144: {  	v4 =	vmul.u32 $0x30, v63  }
0x145: {  	v3 =	vand.u32 $0x7, v3  }
0x146: {  	v3 =	vor.u32 v3, v4  }
0x147: {  	v4 =	vperm.xlane v3, v0;
	_ =	sdelay $0x1  }
0x148: {  	v4 =	vadd.s32 v1, v4;
	_ =	sdelay $0x3  }
0x149: {  	s18 =	simm.s32 $0x15080;
	v3 =	vperm.xlane v3, v2  }
0x14a: {  	[tilespmem:s18], [sflag:$0x1] =	stream.indirect_vreg.gather [hbm4b:s3+s4], $0x80, v4, vm0, $0xb8;
	[tilespmem:$0x18080] =	vst v63  }
0x14b: {  	v3 =	vadd.s32 v1, v3;
	s18 =	simm.s32 $0x15880  }
0x14c: {  	[tilespmem:s18], [sflag:$0x1] =	stream.indirect_vreg.gather [hbm4b:s7+s4], $0x80, v4, vm0, $0xb8;
	[tilespmem:$0x18080] =	vst v63  }
0x14d: {  	s18 =	simm.s32 $0x16080  }
0x14e: {  	[tilespmem:s18], [sflag:$0x1] =	stream.indirect_vreg.gather [hbm4b:s8+s4], $0x80, v4, vm0, $0xb8;
	[tilespmem:$0x18080] =	vst v63  }
0x14f: {  	s18 =	simm.s32 $0x16880  }
0x150: {  	[tilespmem:s18], [sflag:$0x1] =	stream.indirect_vreg.gather [hbm4b:s3+s4], $0x80, v3, vm0, $0xb8;
	[tilespmem:$0x18080] =	vst v63  }
0x151: {  	s18 =	simm.s32 $0x17080  }
0x152: {  	[tilespmem:s18], [sflag:$0x1] =	stream.indirect_vreg.gather [hbm4b:s7+s4], $0x80, v3, vm0, $0xb8;
	[tilespmem:$0x18080] =	vst v63  }
0x153: {  	s18 =	simm.s32 $0x17880  }
0x154: {  	[tilespmem:s18], [sflag:$0x1] =	stream.indirect_vreg.gather [hbm4b:s8+s4], $0x80, v3, vm0, $0xb8;
	[tilespmem:$0x18080] =	vst v63  }
0x155: {  	_ =	swait.ge [sflag:s17], $0x18000  }
0x156: {  	p0 =	sne.s32 s9, $0x1;
	s0 =	simm.s32 $0x80;
	[sflag:s17] =	ssyncset.done $0x0  }
.Ltmp0:
0x157: {  	s18 =	rddreg [dreg:$0x9];
	[sflag:s17] =	ssyncadd.s32 $0xFFFE8000;
	(pc) =	sbr.rel @p0 .LBB2_1-.Ltmp0, $4  }
0x158: {  	[hbm4b:s18+s4] =	stream.linear.scatter [tilespmem:s0], [sflag:$0x2], $0x18000, $0x38;
	[tilespmem:$0x18080] =	vst v63  }
0x159: {  	_ =	swait.ge [sflag:s10], $0x18000  }
0x15a: {  	[sflag:s10] =	ssyncset.done $0x0  }
0x15b: {  	s9 =	sadd.s32 $0xFFFFFFFF, s9;
	[sflag:s10] =	ssyncadd.s32 $0xFFFE8000  }
0x15c: {  	_ =	sfence.sel $0x180000  }
0x15d: {  	[bflag:$0x0] =	sbarrier.arrive $0xFFFF  }
0x15e: {  	_ =	strace $0x90000047  }
0x15f: {  	s0 =	stileid.u32;
	[bflag:$0x2] =	sbarrier.arrive $0xFFFF  }
0x160: {  	p0 =	sne.s32 s0, $0x0;
	s0 =	rddreg [dreg:$0x5]  }
0x161: {  	s0 =	sadd.s32 @!p0 $0x100000, s0  }
0x162: {  	[sflag:s0] =	ssyncadd.tile.s32 @!p0 $0x1;
	_ =	shalt  }
.Lfunc_end2:
_tile_overlayer_lowered:
.L_overlay_start_2:
0x163: {  	(tag) =	ssettag $0x2  }
0x164: {  	s0 =	rddreg [dreg:$0x0];
	s2 =	stileid.u32  }
0x165: {  	s1 =	rddreg [dreg:$0x1];
	p0 =	sne.s32 s2, $0x0  }
0x166: {  	s3 =	rddreg [dreg:$0x2];
	[bflag:$0x3] =	sbarrier.arrive $0xFFFF;
	s2 =	simm.s32 @!p0 $0x1C02  }
0x167: {  	[timem:s3], [sflag:s2] =	dma.local @!p0 [hbm:s0], s1  }
0x168: {  	s0 =	simm.s32 @!p0 $0x2  }
0x169: {  	_ =	swait.ge @!p0 [sflag:s0], s1  }
0x16a: {  	s1 =	ssub.s32 @!p0 $0x0, s1;
	[sflag:s0] =	ssyncset.done @!p0 $0x0  }
0x16b: {  	[sflag:s0] =	ssyncadd.s32 @!p0 s1  }
0x16c: {  	[bflag:$0x3] =	sbarrier.arrive $0xFFFF  }
0x16d: {  	_ =	shalt  }

</sc_bundles>
